<compile_context>
chip_gen: v7x
topology: tpu7x:2x2x1
jax: 0.10.2.dev20260603
libtpu: 0.0.44.dev20260713+nightly
codegen_flags: <defaults>
</compile_context>

<pallas_src>
import jax, jax.numpy as jnp
from jax import lax
from jax.experimental import pallas as pl
from jax.experimental.pallas import tpu as pltpu
from jax.experimental.pallas import tpu_sc as plsc

_C = 100000
_CZ = 2048
_NMAIN = 48
_TAIL = _C - _NMAIN * _CZ
_NG = 2
_NBUF = 4
_LAG = 2


def _tc_copy_block(x_ref, out_ref):
    out_ref[...] = x_ref[...]


def _sc_copy(x_hbm, out_hbm, bufs, tbuf, in_sems, out_sems, tsem):
    nc = 2
    wid = lax.axis_index("s") * nc + lax.axis_index("c")
    base = 512 + wid * (_NG * 8)

    def in_desc(i, slot):
        g = i // _NMAIN
        c = lax.rem(i, _NMAIN)
        return pltpu.make_async_copy(
            x_hbm.at[pl.ds(base + g * 8, 8), pl.ds(c * _CZ, _CZ)],
            bufs.at[slot], in_sems.at[slot])

    def out_desc(i, slot):
        g = i // _NMAIN
        c = lax.rem(i, _NMAIN)
        return pltpu.make_async_copy(
            bufs.at[slot], out_hbm.at[pl.ds(g * 8 + (base - 512), 8), pl.ds(c * _CZ, _CZ)],
            out_sems.at[slot])

    n = _NG * _NMAIN

    def step(it, carry):
        @pl.when(it < n)
        def _():
            slot = lax.rem(it, _NBUF)
            @pl.when(it >= _NBUF)
            def _():
                out_desc(it - _NBUF, slot).wait()
            in_desc(it, slot).start()

        j = it - _LAG

        @pl.when(jnp.logical_and(j >= 0, j < n))
        def _():
            jslot = lax.rem(j, _NBUF)
            in_desc(j, jslot).wait()
            out_desc(j, jslot).start()
        return carry

    lax.fori_loop(0, n + _LAG, step, 0)

    def drain(k, carry):
        i = n - _NBUF + k
        out_desc(i, lax.rem(i, _NBUF)).wait()
        return carry

    lax.fori_loop(0, _NBUF, drain, 0)

    for g in range(_NG):
        src = x_hbm.at[pl.ds(base + g * 8, 8), pl.ds(_NMAIN * _CZ, _TAIL)]
        dst = out_hbm.at[pl.ds(g * 8 + (base - 512), 8), pl.ds(_NMAIN * _CZ, _TAIL)]
        pltpu.make_async_copy(src, tbuf, tsem).start()
        pltpu.make_async_copy(src, tbuf, tsem).wait()
        pltpu.make_async_copy(tbuf, dst, tsem).start()
        pltpu.make_async_copy(tbuf, dst, tsem).wait()


@jax.jit
def _run(teacher_logits, true_labels):
    b, c = teacher_logits.shape
    mesh = plsc.VectorSubcoreMesh(core_axis_name="c", subcore_axis_name="s")
    sc_out = pl.kernel(
        _sc_copy,
        out_type=jax.ShapeDtypeStruct((512, c), jnp.float32),
        mesh=mesh,
        scratch_types=[
            pltpu.VMEM((_NBUF, 8, _CZ), jnp.float32),
            pltpu.VMEM((8, _TAIL), jnp.float32),
            pltpu.SemaphoreType.DMA((_NBUF,)),
            pltpu.SemaphoreType.DMA((_NBUF,)),
            pltpu.SemaphoreType.DMA,
        ],
    )(teacher_logits)
    tc_out = pl.pallas_call(
        _tc_copy_block,
        grid=(512 // 8,),
        in_specs=[pl.BlockSpec((8, c), lambda i: (i, 0))],
        out_specs=pl.BlockSpec((8, c), lambda i: (i, 0)),
        out_shape=jax.ShapeDtypeStruct((512, c), jnp.float32),
    )(teacher_logits[:512])
    return tc_out, sc_out, jnp.ones((b,), jnp.float32)


def kernel(teacher_logits, true_labels):
    return _run(teacher_logits, true_labels)

# --- scband reference (transcript-rebuilt; emitter-appended) ---
"""Pipeline reference for scband-logit-calibration2-901943132313 (READ-ONLY COPY).

The authoritative reference and input builder live on the scoring server;
editing this copy changes nothing except your own understanding.
"""

import jax, jax.numpy as jnp
import numpy as np

TEMP = 4.0
B = 1024
C = 100000


def setup_inputs(seed: int = 0) -> dict:
    key = jax.random.key(seed)
    k1, k2 = jax.random.split(key)
    teacher_logits = jax.random.normal(k1, (B, C), dtype=jnp.float32)
    true_labels = jax.random.randint(k2, (B,), 0, C, dtype=jnp.int32)
    return {"teacher_logits": teacher_logits, "true_labels": true_labels}


def reference(teacher_logits, true_labels):
    num_classes = teacher_logits.shape[1]
    # teachertemp: temp where prediction matches true label, else 1.0
    predicted = jnp.argmax(teacher_logits, axis=1)
    match = predicted == true_labels
    teachertemp = jnp.where(match, jnp.float32(TEMP), jnp.float32(1.0))
    # calibrated logits: keep teacher logits when prediction is correct,
    # otherwise replace the row with a one-hot vector at the true label
    # (1 at true label, 0 elsewhere) -- vectorized form of the per-row loop.
    onehot = jax.nn.one_hot(true_labels, num_classes, dtype=teacher_logits.dtype)
    calibrated_logits = jnp.where(match[:, None], teacher_logits, onehot)
    return (calibrated_logits, teachertemp)

if __name__ == "__main__":
    import jax
    _d = setup_inputs()
    print(jax.jit(kernel)(*tuple(_d.values())))

</pallas_src>

<mosaic_0001>
#map = affine_map<(d0, d1) -> (0, 0)>
module attributes {stable_mosaic.version = 14 : i64} {
  func.func @_sc_copy(%arg0: i32, %arg1: i32, %arg2: memref<1024x100000xf32, #tpu.memory_space<hbm>>, %arg3: memref<512x100000xf32, #tpu.memory_space<hbm>>, %arg4: memref<4x8x2048xf32, #tpu.memory_space<vmem>>, %arg5: memref<8x1696xf32, #tpu.memory_space<vmem>>, %arg6: memref<4x!tpu.dma_semaphore, #tpu.memory_space<semaphore_mem>>, %arg7: memref<4x!tpu.dma_semaphore, #tpu.memory_space<semaphore_mem>>, %arg8: memref<!tpu.dma_semaphore, #tpu.memory_space<semaphore_mem>>) attributes {dimension_semantics = [#tpu.dimension_semantics<core_parallel>, #tpu.dimension_semantics<subcore_parallel>], iteration_bounds = array<i64: 2, 16>, scalar_prefetch = 0 : i64, scratch_operands = 5 : i64, tpu.core_type = #tpu.core_type<sc_vector_subcore>, window_params = [{transform_indices = #map}, {transform_indices = #map}]} {
    %mul3A = arith.constant 2 : i32
    %mul3A_0 = arith.muli %arg1, %mul3A : i32
    %add3A = arith.addi %mul3A_0, %arg0 : i32
    %mul3A_1 = arith.constant 16 : i32
    %mul3A_2 = arith.muli %add3A, %mul3A_1 : i32
    %add3A_3 = arith.constant 512 : i32
    %add3A_4 = arith.addi %add3A_3, %mul3A_2 : i32
    %scan3A = arith.constant 0 : i32
    %scan3A_5 = arith.constant 0 : i32
    %scan3A_6 = arith.constant 98 : i32
    %scan3A_7 = arith.addi %scan3A_5, %scan3A_6 : i32
    %scan3A_8 = arith.constant 1 : i32
    scf.for %scan3A_57 = %scan3A_5 to %scan3A_7 step %scan3A_8  : i32 {
      %lt3A = arith.constant 96 : i32
      %lt3A_58 = arith.cmpi slt, %scan3A_57, %lt3A : i32
      %convert_element_type3A = arith.extui %lt3A_58 : i1 to i32
      %cond3A = arith.constant 0 : i32
      %cond3A_59 = arith.cmpi ne, %convert_element_type3A, %cond3A : i32
      scf.if %cond3A_59 {
        %rem3A = arith.constant 4 : i32
        %rem3A_68 = arith.remsi %scan3A_57, %rem3A : i32
        %ge3A_69 = arith.constant 4 : i32
        %ge3A_70 = arith.cmpi sge, %scan3A_57, %ge3A_69 : i32
        %convert_element_type3A_71 = arith.extui %ge3A_70 : i1 to i32
        %cond3A_72 = arith.constant 0 : i32
        %cond3A_73 = arith.cmpi ne, %convert_element_type3A_71, %cond3A_72 : i32
        scf.if %cond3A_73 {
          %sub3A_112 = arith.constant 4 : i32
          %sub3A_113 = arith.subi %scan3A_57, %sub3A_112 : i32
          %jit3A_114 = arith.constant 48 : i32
          %div3A_115 = arith.divsi %sub3A_113, %jit3A_114 : i32
          %sign3A_116 = arith.constant 0 : i32
          %sign3A_117 = arith.cmpi sgt, %sub3A_113, %sign3A_116 : i32
          %sign3A_118 = arith.extui %sign3A_117 : i1 to i32
          %sign3A_119 = arith.constant 0 : i32
          %sign3A_120 = arith.cmpi slt, %sub3A_113, %sign3A_119 : i32
          %sign3A_121 = arith.extui %sign3A_120 : i1 to i32
          %sign3A_122 = arith.subi %sign3A_118, %sign3A_121 : i32
          %sign3A_123 = arith.constant 0 : i32
          %sign3A_124 = arith.cmpi sgt, %jit3A_114, %sign3A_123 : i32
          %sign3A_125 = arith.extui %sign3A_124 : i1 to i32
          %sign3A_126 = arith.constant 0 : i32
          %sign3A_127 = arith.cmpi slt, %jit3A_114, %sign3A_126 : i32
          %sign3A_128 = arith.extui %sign3A_127 : i1 to i32
          %sign3A_129 = arith.subi %sign3A_125, %sign3A_128 : i32
          %ne3A_130 = arith.cmpi ne, %sign3A_122, %sign3A_129 : i32
          %rem3A_131 = arith.remsi %sub3A_113, %jit3A_114 : i32
          %ne3A_132 = arith.constant 0 : i32
          %ne3A_133 = arith.cmpi ne, %rem3A_131, %ne3A_132 : i32
          %and3A_134 = arith.andi %ne3A_130, %ne3A_133 : i1
          %sub3A_135 = arith.constant 1 : i32
          %sub3A_136 = arith.subi %div3A_115, %sub3A_135 : i32
          %select_n3A_137 = arith.select %and3A_134, %sub3A_136, %div3A_115 : i32
          %rem3A_138 = arith.constant 48 : i32
          %rem3A_139 = arith.remsi %sub3A_113, %rem3A_138 : i32
          %mul3A_140 = arith.constant 8 : i32
          %mul3A_141 = arith.muli %select_n3A_137, %mul3A_140 : i32
          %sub3A_142 = arith.constant 512 : i32
          %sub3A_143 = arith.subi %add3A_4, %sub3A_142 : i32
          %add3A_144 = arith.addi %mul3A_141, %sub3A_143 : i32
          %mul3A_145 = arith.constant 2048 : i32
          %mul3A_146 = arith.muli %rem3A_139, %mul3A_145 : i32
          %dma_wait3A_147 = arith.constant 0 : i32
          %dma_wait3A_148 = arith.constant 0 : i32
          %dma_wait3A_149 = tpu.memref_slice %arg4[%rem3A_68, %dma_wait3A_147, %dma_wait3A_148] : memref<4x8x2048xf32, #tpu.memory_space<vmem>> -> memref<1x8x2048xf32, #tpu.memory_space<vmem>>
          %dma_wait3A_150 = tpu.memref_squeeze %dma_wait3A_149 : memref<1x8x2048xf32, #tpu.memory_space<vmem>> -> memref<8x2048xf32, #tpu.memory_space<vmem>>
          %dma_wait3A_151 = tpu.memref_slice %arg3[%add3A_144, %mul3A_146] : memref<512x100000xf32, #tpu.memory_space<hbm>> -> memref<8x2048xf32, #tpu.memory_space<hbm>>
          %dma_wait3A_152 = tpu.memref_slice %arg7[%rem3A_68] : memref<4x!tpu.dma_semaphore, #tpu.memory_space<semaphore_mem>> -> memref<1x!tpu.dma_semaphore, #tpu.memory_space<semaphore_mem>>
          %dma_wait3A_153 = tpu.memref_squeeze %dma_wait3A_152 : memref<1x!tpu.dma_semaphore, #tpu.memory_space<semaphore_mem>> -> memref<!tpu.dma_semaphore, #tpu.memory_space<semaphore_mem>>
          %dma_wait3A_154 = tpu.memref_slice %arg3[%add3A_144, %mul3A_146] : memref<512x100000xf32, #tpu.memory_space<hbm>> -> memref<8x2048xf32, #tpu.memory_space<hbm>>
          %dma_wait3A_155 = arith.constant 0 : i32
          %dma_wait3A_156 = arith.constant 0 : i32
          %dma_wait3A_157 = tpu.memref_slice %arg4[%rem3A_68, %dma_wait3A_155, %dma_wait3A_156] : memref<4x8x2048xf32, #tpu.memory_space<vmem>> -> memref<1x8x2048xf32, #tpu.memory_space<vmem>>
          %dma_wait3A_158 = tpu.memref_squeeze %dma_wait3A_157 : memref<1x8x2048xf32, #tpu.memory_space<vmem>> -> memref<8x2048xf32, #tpu.memory_space<vmem>>
          tpu.wait_dma2 semaphore(%dma_wait3A_153 : memref<!tpu.dma_semaphore, #tpu.memory_space<semaphore_mem>>) src(%dma_wait3A_158 : memref<8x2048xf32, #tpu.memory_space<vmem>>) dst(%dma_wait3A_154 : memref<8x2048xf32, #tpu.memory_space<hbm>>)
        } else {
        }
        %jit3A = arith.constant 48 : i32
        %div3A = arith.divsi %scan3A_57, %jit3A : i32
        %sign3A = arith.constant 0 : i32
        %sign3A_74 = arith.cmpi sgt, %scan3A_57, %sign3A : i32
        %sign3A_75 = arith.extui %sign3A_74 : i1 to i32
        %sign3A_76 = arith.constant 0 : i32
        %sign3A_77 = arith.cmpi slt, %scan3A_57, %sign3A_76 : i32
        %sign3A_78 = arith.extui %sign3A_77 : i1 to i32
        %sign3A_79 = arith.subi %sign3A_75, %sign3A_78 : i32
        %sign3A_80 = arith.constant 0 : i32
        %sign3A_81 = arith.cmpi sgt, %jit3A, %sign3A_80 : i32
        %sign3A_82 = arith.extui %sign3A_81 : i1 to i32
        %sign3A_83 = arith.constant 0 : i32
        %sign3A_84 = arith.cmpi slt, %jit3A, %sign3A_83 : i32
        %sign3A_85 = arith.extui %sign3A_84 : i1 to i32
        %sign3A_86 = arith.subi %sign3A_82, %sign3A_85 : i32
        %ne3A = arith.cmpi ne, %sign3A_79, %sign3A_86 : i32
        %rem3A_87 = arith.remsi %scan3A_57, %jit3A : i32
        %ne3A_88 = arith.constant 0 : i32
        %ne3A_89 = arith.cmpi ne, %rem3A_87, %ne3A_88 : i32
        %and3A_90 = arith.andi %ne3A, %ne3A_89 : i1
        %sub3A_91 = arith.constant 1 : i32
        %sub3A_92 = arith.subi %div3A, %sub3A_91 : i32
        %select_n3A = arith.select %and3A_90, %sub3A_92, %div3A : i32
        %rem3A_93 = arith.constant 48 : i32
        %rem3A_94 = arith.remsi %scan3A_57, %rem3A_93 : i32
        %mul3A_95 = arith.constant 8 : i32
        %mul3A_96 = arith.muli %select_n3A, %mul3A_95 : i32
        %add3A_97 = arith.addi %add3A_4, %mul3A_96 : i32
        %mul3A_98 = arith.constant 2048 : i32
        %mul3A_99 = arith.muli %rem3A_94, %mul3A_98 : i32
        %dma_start3A_100 = arith.constant 0 : i32
        %dma_start3A_101 = arith.constant 0 : i32
        %dma_start3A_102 = tpu.memref_slice %arg4[%rem3A_68, %dma_start3A_100, %dma_start3A_101] : memref<4x8x2048xf32, #tpu.memory_space<vmem>> -> memref<1x8x2048xf32, #tpu.memory_space<vmem>>
        %dma_start3A_103 = tpu.memref_squeeze %dma_start3A_102 : memref<1x8x2048xf32, #tpu.memory_space<vmem>> -> memref<8x2048xf32, #tpu.memory_space<vmem>>
        %dma_start3A_104 = tpu.memref_slice %arg2[%add3A_97, %mul3A_99] : memref<1024x100000xf32, #tpu.memory_space<hbm>> -> memref<8x2048xf32, #tpu.memory_space<hbm>>
        %dma_start3A_105 = tpu.memref_slice %arg6[%rem3A_68] : memref<4x!tpu.dma_semaphore, #tpu.memory_space<semaphore_mem>> -> memref<1x!tpu.dma_semaphore, #tpu.memory_space<semaphore_mem>>
        %dma_start3A_106 = tpu.memref_squeeze %dma_start3A_105 : memref<1x!tpu.dma_semaphore, #tpu.memory_space<semaphore_mem>> -> memref<!tpu.dma_semaphore, #tpu.memory_space<semaphore_mem>>
        %dma_start3A_107 = arith.constant 0 : i32
        %dma_start3A_108 = arith.constant 0 : i32
        %dma_start3A_109 = tpu.memref_slice %arg4[%rem3A_68, %dma_start3A_107, %dma_start3A_108] : memref<4x8x2048xf32, #tpu.memory_space<vmem>> -> memref<1x8x2048xf32, #tpu.memory_space<vmem>>
        %dma_start3A_110 = tpu.memref_squeeze %dma_start3A_109 : memref<1x8x2048xf32, #tpu.memory_space<vmem>> -> memref<8x2048xf32, #tpu.memory_space<vmem>>
        %dma_start3A_111 = tpu.memref_slice %arg2[%add3A_97, %mul3A_99] : memref<1024x100000xf32, #tpu.memory_space<hbm>> -> memref<8x2048xf32, #tpu.memory_space<hbm>>
        tpu.enqueue_dma source(%dma_start3A_111 : memref<8x2048xf32, #tpu.memory_space<hbm>>) target(%dma_start3A_110 : memref<8x2048xf32, #tpu.memory_space<vmem>>) target_semaphore(%dma_start3A_106 : memref<!tpu.dma_semaphore, #tpu.memory_space<semaphore_mem>>)
      } else {
      }
      %sub3A_60 = arith.constant 2 : i32
      %sub3A_61 = arith.subi %scan3A_57, %sub3A_60 : i32
      %ge3A = arith.constant 0 : i32
      %ge3A_62 = arith.cmpi sge, %sub3A_61, %ge3A : i32
      %lt3A_63 = arith.constant 96 : i32
      %lt3A_64 = arith.cmpi slt, %sub3A_61, %lt3A_63 : i32
      %and3A = arith.andi %ge3A_62, %lt3A_64 : i1
      %convert_element_type3A_65 = arith.extui %and3A : i1 to i32
      %cond3A_66 = arith.constant 0 : i32
      %cond3A_67 = arith.cmpi ne, %convert_element_type3A_65, %cond3A_66 : i32
      scf.if %cond3A_67 {
        %rem3A = arith.constant 4 : i32
        %rem3A_68 = arith.remsi %sub3A_61, %rem3A : i32
        %jit3A = arith.constant 48 : i32
        %div3A = arith.divsi %sub3A_61, %jit3A : i32
        %sign3A = arith.constant 0 : i32
        %sign3A_69 = arith.cmpi sgt, %sub3A_61, %sign3A : i32
        %sign3A_70 = arith.extui %sign3A_69 : i1 to i32
        %sign3A_71 = arith.constant 0 : i32
        %sign3A_72 = arith.cmpi slt, %sub3A_61, %sign3A_71 : i32
        %sign3A_73 = arith.extui %sign3A_72 : i1 to i32
        %sign3A_74 = arith.subi %sign3A_70, %sign3A_73 : i32
        %sign3A_75 = arith.constant 0 : i32
        %sign3A_76 = arith.cmpi sgt, %jit3A, %sign3A_75 : i32
        %sign3A_77 = arith.extui %sign3A_76 : i1 to i32
        %sign3A_78 = arith.constant 0 : i32
        %sign3A_79 = arith.cmpi slt, %jit3A, %sign3A_78 : i32
        %sign3A_80 = arith.extui %sign3A_79 : i1 to i32
        %sign3A_81 = arith.subi %sign3A_77, %sign3A_80 : i32
        %ne3A = arith.cmpi ne, %sign3A_74, %sign3A_81 : i32
        %rem3A_82 = arith.remsi %sub3A_61, %jit3A : i32
        %ne3A_83 = arith.constant 0 : i32
        %ne3A_84 = arith.cmpi ne, %rem3A_82, %ne3A_83 : i32
        %and3A_85 = arith.andi %ne3A, %ne3A_84 : i1
        %sub3A_86 = arith.constant 1 : i32
        %sub3A_87 = arith.subi %div3A, %sub3A_86 : i32
        %select_n3A = arith.select %and3A_85, %sub3A_87, %div3A : i32
        %rem3A_88 = arith.constant 48 : i32
        %rem3A_89 = arith.remsi %sub3A_61, %rem3A_88 : i32
        %mul3A_90 = arith.constant 8 : i32
        %mul3A_91 = arith.muli %select_n3A, %mul3A_90 : i32
        %add3A_92 = arith.addi %add3A_4, %mul3A_91 : i32
        %mul3A_93 = arith.constant 2048 : i32
        %mul3A_94 = arith.muli %rem3A_89, %mul3A_93 : i32
        %dma_wait3A_95 = arith.constant 0 : i32
        %dma_wait3A_96 = arith.constant 0 : i32
        %dma_wait3A_97 = tpu.memref_slice %arg4[%rem3A_68, %dma_wait3A_95, %dma_wait3A_96] : memref<4x8x2048xf32, #tpu.memory_space<vmem>> -> memref<1x8x2048xf32, #tpu.memory_space<vmem>>
        %dma_wait3A_98 = tpu.memref_squeeze %dma_wait3A_97 : memref<1x8x2048xf32, #tpu.memory_space<vmem>> -> memref<8x2048xf32, #tpu.memory_space<vmem>>
        %dma_wait3A_99 = tpu.memref_slice %arg2[%add3A_92, %mul3A_94] : memref<1024x100000xf32, #tpu.memory_space<hbm>> -> memref<8x2048xf32, #tpu.memory_space<hbm>>
        %dma_wait3A_100 = tpu.memref_slice %arg6[%rem3A_68] : memref<4x!tpu.dma_semaphore, #tpu.memory_space<semaphore_mem>> -> memref<1x!tpu.dma_semaphore, #tpu.memory_space<semaphore_mem>>
        %dma_wait3A_101 = tpu.memref_squeeze %dma_wait3A_100 : memref<1x!tpu.dma_semaphore, #tpu.memory_space<semaphore_mem>> -> memref<!tpu.dma_semaphore, #tpu.memory_space<semaphore_mem>>
        %dma_wait3A_102 = arith.constant 0 : i32
        %dma_wait3A_103 = arith.constant 0 : i32
        %dma_wait3A_104 = tpu.memref_slice %arg4[%rem3A_68, %dma_wait3A_102, %dma_wait3A_103] : memref<4x8x2048xf32, #tpu.memory_space<vmem>> -> memref<1x8x2048xf32, #tpu.memory_space<vmem>>
        %dma_wait3A_105 = tpu.memref_squeeze %dma_wait3A_104 : memref<1x8x2048xf32, #tpu.memory_space<vmem>> -> memref<8x2048xf32, #tpu.memory_space<vmem>>
        %dma_wait3A_106 = tpu.memref_slice %arg2[%add3A_92, %mul3A_94] : memref<1024x100000xf32, #tpu.memory_space<hbm>> -> memref<8x2048xf32, #tpu.memory_space<hbm>>
        tpu.wait_dma2 semaphore(%dma_wait3A_101 : memref<!tpu.dma_semaphore, #tpu.memory_space<semaphore_mem>>) src(%dma_wait3A_106 : memref<8x2048xf32, #tpu.memory_space<hbm>>) dst(%dma_wait3A_105 : memref<8x2048xf32, #tpu.memory_space<vmem>>)
        %jit3A_107 = arith.constant 48 : i32
        %div3A_108 = arith.divsi %sub3A_61, %jit3A_107 : i32
        %sign3A_109 = arith.constant 0 : i32
        %sign3A_110 = arith.cmpi sgt, %sub3A_61, %sign3A_109 : i32
        %sign3A_111 = arith.extui %sign3A_110 : i1 to i32
        %sign3A_112 = arith.constant 0 : i32
        %sign3A_113 = arith.cmpi slt, %sub3A_61, %sign3A_112 : i32
        %sign3A_114 = arith.extui %sign3A_113 : i1 to i32
        %sign3A_115 = arith.subi %sign3A_111, %sign3A_114 : i32
        %sign3A_116 = arith.constant 0 : i32
        %sign3A_117 = arith.cmpi sgt, %jit3A_107, %sign3A_116 : i32
        %sign3A_118 = arith.extui %sign3A_117 : i1 to i32
        %sign3A_119 = arith.constant 0 : i32
        %sign3A_120 = arith.cmpi slt, %jit3A_107, %sign3A_119 : i32
        %sign3A_121 = arith.extui %sign3A_120 : i1 to i32
        %sign3A_122 = arith.subi %sign3A_118, %sign3A_121 : i32
        %ne3A_123 = arith.cmpi ne, %sign3A_115, %sign3A_122 : i32
        %rem3A_124 = arith.remsi %sub3A_61, %jit3A_107 : i32
        %ne3A_125 = arith.constant 0 : i32
        %ne3A_126 = arith.cmpi ne, %rem3A_124, %ne3A_125 : i32
        %and3A_127 = arith.andi %ne3A_123, %ne3A_126 : i1
        %sub3A_128 = arith.constant 1 : i32
        %sub3A_129 = arith.subi %div3A_108, %sub3A_128 : i32
        %select_n3A_130 = arith.select %and3A_127, %sub3A_129, %div3A_108 : i32
        %rem3A_131 = arith.constant 48 : i32
        %rem3A_132 = arith.remsi %sub3A_61, %rem3A_131 : i32
        %mul3A_133 = arith.constant 8 : i32
        %mul3A_134 = arith.muli %select_n3A_130, %mul3A_133 : i32
        %sub3A_135 = arith.constant 512 : i32
        %sub3A_136 = arith.subi %add3A_4, %sub3A_135 : i32
        %add3A_137 = arith.addi %mul3A_134, %sub3A_136 : i32
        %mul3A_138 = arith.constant 2048 : i32
        %mul3A_139 = arith.muli %rem3A_132, %mul3A_138 : i32
        %dma_start3A_140 = arith.constant 0 : i32
        %dma_start3A_141 = arith.constant 0 : i32
        %dma_start3A_142 = tpu.memref_slice %arg4[%rem3A_68, %dma_start3A_140, %dma_start3A_141] : memref<4x8x2048xf32, #tpu.memory_space<vmem>> -> memref<1x8x2048xf32, #tpu.memory_space<vmem>>
        %dma_start3A_143 = tpu.memref_squeeze %dma_start3A_142 : memref<1x8x2048xf32, #tpu.memory_space<vmem>> -> memref<8x2048xf32, #tpu.memory_space<vmem>>
        %dma_start3A_144 = tpu.memref_slice %arg3[%add3A_137, %mul3A_139] : memref<512x100000xf32, #tpu.memory_space<hbm>> -> memref<8x2048xf32, #tpu.memory_space<hbm>>
        %dma_start3A_145 = tpu.memref_slice %arg7[%rem3A_68] : memref<4x!tpu.dma_semaphore, #tpu.memory_space<semaphore_mem>> -> memref<1x!tpu.dma_semaphore, #tpu.memory_space<semaphore_mem>>
        %dma_start3A_146 = tpu.memref_squeeze %dma_start3A_145 : memref<1x!tpu.dma_semaphore, #tpu.memory_space<semaphore_mem>> -> memref<!tpu.dma_semaphore, #tpu.memory_space<semaphore_mem>>
        %dma_start3A_147 = tpu.memref_slice %arg3[%add3A_137, %mul3A_139] : memref<512x100000xf32, #tpu.memory_space<hbm>> -> memref<8x2048xf32, #tpu.memory_space<hbm>>
        %dma_start3A_148 = arith.constant 0 : i32
        %dma_start3A_149 = arith.constant 0 : i32
        %dma_start3A_150 = tpu.memref_slice %arg4[%rem3A_68, %dma_start3A_148, %dma_start3A_149] : memref<4x8x2048xf32, #tpu.memory_space<vmem>> -> memref<1x8x2048xf32, #tpu.memory_space<vmem>>
        %dma_start3A_151 = tpu.memref_squeeze %dma_start3A_150 : memref<1x8x2048xf32, #tpu.memory_space<vmem>> -> memref<8x2048xf32, #tpu.memory_space<vmem>>
        tpu.enqueue_dma source(%dma_start3A_151 : memref<8x2048xf32, #tpu.memory_space<vmem>>) target(%dma_start3A_147 : memref<8x2048xf32, #tpu.memory_space<hbm>>) target_semaphore(%dma_start3A_146 : memref<!tpu.dma_semaphore, #tpu.memory_space<semaphore_mem>>)
      } else {
      }
    }
    %scan3A_9 = arith.constant 98 : i32
    %scan3A_10 = arith.constant 0 : i32
    %scan3A_11 = arith.constant 0 : i32
    %scan3A_12 = arith.constant 4 : i32
    %scan3A_13 = arith.addi %scan3A_11, %scan3A_12 : i32
    %scan3A_14 = arith.constant 1 : i32
    scf.for %scan3A_57 = %scan3A_11 to %scan3A_13 step %scan3A_14  : i32 {
      %add3A_58 = arith.constant 92 : i32
      %add3A_59 = arith.addi %add3A_58, %scan3A_57 : i32
      %rem3A = arith.constant 4 : i32
      %rem3A_60 = arith.remsi %add3A_59, %rem3A : i32
      %jit3A = arith.constant 48 : i32
      %div3A = arith.divsi %add3A_59, %jit3A : i32
      %sign3A = arith.constant 0 : i32
      %sign3A_61 = arith.cmpi sgt, %add3A_59, %sign3A : i32
      %sign3A_62 = arith.extui %sign3A_61 : i1 to i32
      %sign3A_63 = arith.constant 0 : i32
      %sign3A_64 = arith.cmpi slt, %add3A_59, %sign3A_63 : i32
      %sign3A_65 = arith.extui %sign3A_64 : i1 to i32
      %sign3A_66 = arith.subi %sign3A_62, %sign3A_65 : i32
      %sign3A_67 = arith.constant 0 : i32
      %sign3A_68 = arith.cmpi sgt, %jit3A, %sign3A_67 : i32
      %sign3A_69 = arith.extui %sign3A_68 : i1 to i32
      %sign3A_70 = arith.constant 0 : i32
      %sign3A_71 = arith.cmpi slt, %jit3A, %sign3A_70 : i32
      %sign3A_72 = arith.extui %sign3A_71 : i1 to i32
      %sign3A_73 = arith.subi %sign3A_69, %sign3A_72 : i32
      %ne3A = arith.cmpi ne, %sign3A_66, %sign3A_73 : i32
      %rem3A_74 = arith.remsi %add3A_59, %jit3A : i32
      %ne3A_75 = arith.constant 0 : i32
      %ne3A_76 = arith.cmpi ne, %rem3A_74, %ne3A_75 : i32
      %and3A = arith.andi %ne3A, %ne3A_76 : i1
      %sub3A_77 = arith.constant 1 : i32
      %sub3A_78 = arith.subi %div3A, %sub3A_77 : i32
      %select_n3A = arith.select %and3A, %sub3A_78, %div3A : i32
      %rem3A_79 = arith.constant 48 : i32
      %rem3A_80 = arith.remsi %add3A_59, %rem3A_79 : i32
      %mul3A_81 = arith.constant 8 : i32
      %mul3A_82 = arith.muli %select_n3A, %mul3A_81 : i32
      %sub3A_83 = arith.constant 512 : i32
      %sub3A_84 = arith.subi %add3A_4, %sub3A_83 : i32
      %add3A_85 = arith.addi %mul3A_82, %sub3A_84 : i32
      %mul3A_86 = arith.constant 2048 : i32
      %mul3A_87 = arith.muli %rem3A_80, %mul3A_86 : i32
      %dma_wait3A_88 = arith.constant 0 : i32
      %dma_wait3A_89 = arith.constant 0 : i32
      %dma_wait3A_90 = tpu.memref_slice %arg4[%rem3A_60, %dma_wait3A_88, %dma_wait3A_89] : memref<4x8x2048xf32, #tpu.memory_space<vmem>> -> memref<1x8x2048xf32, #tpu.memory_space<vmem>>
      %dma_wait3A_91 = tpu.memref_squeeze %dma_wait3A_90 : memref<1x8x2048xf32, #tpu.memory_space<vmem>> -> memref<8x2048xf32, #tpu.memory_space<vmem>>
      %dma_wait3A_92 = tpu.memref_slice %arg3[%add3A_85, %mul3A_87] : memref<512x100000xf32, #tpu.memory_space<hbm>> -> memref<8x2048xf32, #tpu.memory_space<hbm>>
      %dma_wait3A_93 = tpu.memref_slice %arg7[%rem3A_60] : memref<4x!tpu.dma_semaphore, #tpu.memory_space<semaphore_mem>> -> memref<1x!tpu.dma_semaphore, #tpu.memory_space<semaphore_mem>>
      %dma_wait3A_94 = tpu.memref_squeeze %dma_wait3A_93 : memref<1x!tpu.dma_semaphore, #tpu.memory_space<semaphore_mem>> -> memref<!tpu.dma_semaphore, #tpu.memory_space<semaphore_mem>>
      %dma_wait3A_95 = tpu.memref_slice %arg3[%add3A_85, %mul3A_87] : memref<512x100000xf32, #tpu.memory_space<hbm>> -> memref<8x2048xf32, #tpu.memory_space<hbm>>
      %dma_wait3A_96 = arith.constant 0 : i32
      %dma_wait3A_97 = arith.constant 0 : i32
      %dma_wait3A_98 = tpu.memref_slice %arg4[%rem3A_60, %dma_wait3A_96, %dma_wait3A_97] : memref<4x8x2048xf32, #tpu.memory_space<vmem>> -> memref<1x8x2048xf32, #tpu.memory_space<vmem>>
      %dma_wait3A_99 = tpu.memref_squeeze %dma_wait3A_98 : memref<1x8x2048xf32, #tpu.memory_space<vmem>> -> memref<8x2048xf32, #tpu.memory_space<vmem>>
      tpu.wait_dma2 semaphore(%dma_wait3A_94 : memref<!tpu.dma_semaphore, #tpu.memory_space<semaphore_mem>>) src(%dma_wait3A_99 : memref<8x2048xf32, #tpu.memory_space<vmem>>) dst(%dma_wait3A_95 : memref<8x2048xf32, #tpu.memory_space<hbm>>)
    }
    %scan3A_15 = arith.constant 4 : i32
    %add3A_16 = arith.constant 0 : i32
    %add3A_17 = arith.addi %add3A_4, %add3A_16 : i32
    %sub3A = arith.constant 512 : i32
    %sub3A_18 = arith.subi %add3A_4, %sub3A : i32
    %add3A_19 = arith.constant 0 : i32
    %add3A_20 = arith.addi %add3A_19, %sub3A_18 : i32
    %dma_start3A = arith.constant 98304 : i32
    %dma_start3A_21 = tpu.memref_slice %arg2[%add3A_17, %dma_start3A] : memref<1024x100000xf32, #tpu.memory_space<hbm>> -> memref<8x1696xf32, #tpu.memory_space<hbm>>
    %dma_start3A_22 = arith.constant 98304 : i32
    %dma_start3A_23 = tpu.memref_slice %arg2[%add3A_17, %dma_start3A_22] : memref<1024x100000xf32, #tpu.memory_space<hbm>> -> memref<8x1696xf32, #tpu.memory_space<hbm>>
    tpu.enqueue_dma source(%dma_start3A_23 : memref<8x1696xf32, #tpu.memory_space<hbm>>) target(%arg5 : memref<8x1696xf32, #tpu.memory_space<vmem>>) target_semaphore(%arg8 : memref<!tpu.dma_semaphore, #tpu.memory_space<semaphore_mem>>)
    %dma_wait3A = arith.constant 98304 : i32
    %dma_wait3A_24 = tpu.memref_slice %arg2[%add3A_17, %dma_wait3A] : memref<1024x100000xf32, #tpu.memory_space<hbm>> -> memref<8x1696xf32, #tpu.memory_space<hbm>>
    %dma_wait3A_25 = arith.constant 98304 : i32
    %dma_wait3A_26 = tpu.memref_slice %arg2[%add3A_17, %dma_wait3A_25] : memref<1024x100000xf32, #tpu.memory_space<hbm>> -> memref<8x1696xf32, #tpu.memory_space<hbm>>
    tpu.wait_dma2 semaphore(%arg8 : memref<!tpu.dma_semaphore, #tpu.memory_space<semaphore_mem>>) src(%dma_wait3A_26 : memref<8x1696xf32, #tpu.memory_space<hbm>>) dst(%arg5 : memref<8x1696xf32, #tpu.memory_space<vmem>>)
    %dma_start3A_27 = arith.constant 98304 : i32
    %dma_start3A_28 = tpu.memref_slice %arg3[%add3A_20, %dma_start3A_27] : memref<512x100000xf32, #tpu.memory_space<hbm>> -> memref<8x1696xf32, #tpu.memory_space<hbm>>
    %dma_start3A_29 = arith.constant 98304 : i32
    %dma_start3A_30 = tpu.memref_slice %arg3[%add3A_20, %dma_start3A_29] : memref<512x100000xf32, #tpu.memory_space<hbm>> -> memref<8x1696xf32, #tpu.memory_space<hbm>>
    tpu.enqueue_dma source(%arg5 : memref<8x1696xf32, #tpu.memory_space<vmem>>) target(%dma_start3A_30 : memref<8x1696xf32, #tpu.memory_space<hbm>>) target_semaphore(%arg8 : memref<!tpu.dma_semaphore, #tpu.memory_space<semaphore_mem>>)
    %dma_wait3A_31 = arith.constant 98304 : i32
    %dma_wait3A_32 = tpu.memref_slice %arg3[%add3A_20, %dma_wait3A_31] : memref<512x100000xf32, #tpu.memory_space<hbm>> -> memref<8x1696xf32, #tpu.memory_space<hbm>>
    %dma_wait3A_33 = arith.constant 98304 : i32
    %dma_wait3A_34 = tpu.memref_slice %arg3[%add3A_20, %dma_wait3A_33] : memref<512x100000xf32, #tpu.memory_space<hbm>> -> memref<8x1696xf32, #tpu.memory_space<hbm>>
    tpu.wait_dma2 semaphore(%arg8 : memref<!tpu.dma_semaphore, #tpu.memory_space<semaphore_mem>>) src(%arg5 : memref<8x1696xf32, #tpu.memory_space<vmem>>) dst(%dma_wait3A_34 : memref<8x1696xf32, #tpu.memory_space<hbm>>)
    %add3A_35 = arith.constant 8 : i32
    %add3A_36 = arith.addi %add3A_4, %add3A_35 : i32
    %sub3A_37 = arith.constant 512 : i32
    %sub3A_38 = arith.subi %add3A_4, %sub3A_37 : i32
    %add3A_39 = arith.constant 8 : i32
    %add3A_40 = arith.addi %add3A_39, %sub3A_38 : i32
    %dma_start3A_41 = arith.constant 98304 : i32
    %dma_start3A_42 = tpu.memref_slice %arg2[%add3A_36, %dma_start3A_41] : memref<1024x100000xf32, #tpu.memory_space<hbm>> -> memref<8x1696xf32, #tpu.memory_space<hbm>>
    %dma_start3A_43 = arith.constant 98304 : i32
    %dma_start3A_44 = tpu.memref_slice %arg2[%add3A_36, %dma_start3A_43] : memref<1024x100000xf32, #tpu.memory_space<hbm>> -> memref<8x1696xf32, #tpu.memory_space<hbm>>
    tpu.enqueue_dma source(%dma_start3A_44 : memref<8x1696xf32, #tpu.memory_space<hbm>>) target(%arg5 : memref<8x1696xf32, #tpu.memory_space<vmem>>) target_semaphore(%arg8 : memref<!tpu.dma_semaphore, #tpu.memory_space<semaphore_mem>>)
    %dma_wait3A_45 = arith.constant 98304 : i32
    %dma_wait3A_46 = tpu.memref_slice %arg2[%add3A_36, %dma_wait3A_45] : memref<1024x100000xf32, #tpu.memory_space<hbm>> -> memref<8x1696xf32, #tpu.memory_space<hbm>>
    %dma_wait3A_47 = arith.constant 98304 : i32
    %dma_wait3A_48 = tpu.memref_slice %arg2[%add3A_36, %dma_wait3A_47] : memref<1024x100000xf32, #tpu.memory_space<hbm>> -> memref<8x1696xf32, #tpu.memory_space<hbm>>
    tpu.wait_dma2 semaphore(%arg8 : memref<!tpu.dma_semaphore, #tpu.memory_space<semaphore_mem>>) src(%dma_wait3A_48 : memref<8x1696xf32, #tpu.memory_space<hbm>>) dst(%arg5 : memref<8x1696xf32, #tpu.memory_space<vmem>>)
    %dma_start3A_49 = arith.constant 98304 : i32
    %dma_start3A_50 = tpu.memref_slice %arg3[%add3A_40, %dma_start3A_49] : memref<512x100000xf32, #tpu.memory_space<hbm>> -> memref<8x1696xf32, #tpu.memory_space<hbm>>
    %dma_start3A_51 = arith.constant 98304 : i32
    %dma_start3A_52 = tpu.memref_slice %arg3[%add3A_40, %dma_start3A_51] : memref<512x100000xf32, #tpu.memory_space<hbm>> -> memref<8x1696xf32, #tpu.memory_space<hbm>>
    tpu.enqueue_dma source(%arg5 : memref<8x1696xf32, #tpu.memory_space<vmem>>) target(%dma_start3A_52 : memref<8x1696xf32, #tpu.memory_space<hbm>>) target_semaphore(%arg8 : memref<!tpu.dma_semaphore, #tpu.memory_space<semaphore_mem>>)
    %dma_wait3A_53 = arith.constant 98304 : i32
    %dma_wait3A_54 = tpu.memref_slice %arg3[%add3A_40, %dma_wait3A_53] : memref<512x100000xf32, #tpu.memory_space<hbm>> -> memref<8x1696xf32, #tpu.memory_space<hbm>>
    %dma_wait3A_55 = arith.constant 98304 : i32
    %dma_wait3A_56 = tpu.memref_slice %arg3[%add3A_40, %dma_wait3A_55] : memref<512x100000xf32, #tpu.memory_space<hbm>> -> memref<8x1696xf32, #tpu.memory_space<hbm>>
    tpu.wait_dma2 semaphore(%arg8 : memref<!tpu.dma_semaphore, #tpu.memory_space<semaphore_mem>>) src(%arg5 : memref<8x1696xf32, #tpu.memory_space<vmem>>) dst(%dma_wait3A_56 : memref<8x1696xf32, #tpu.memory_space<hbm>>)
    return
  }
}

module attributes {stable_mosaic.version = 14 : i64} {
  func.func @_tc_copy_block(%arg0: i32, %arg1: memref<8x100000xf32, #tpu.memory_space<vmem>>, %arg2: memref<8x100000xf32, #tpu.memory_space<vmem>>) attributes {dimension_semantics = [#tpu.dimension_semantics<arbitrary>], iteration_bounds = array<i64: 64>, scalar_prefetch = 0 : i64, scratch_operands = 0 : i64, tpu.core_type = #tpu.core_type<tc>, window_params = [{transform_indices = @transform_0, window_bounds = array<i64: 8, 100000>}, {transform_indices = @transform_1, window_bounds = array<i64: 8, 100000>}]} {
    %get3A = arith.constant 0 : index
    %get3A_0 = arith.constant 0 : index
    %get3A_1 = vector.load %arg1[%get3A, %get3A_0] : memref<8x100000xf32, #tpu.memory_space<vmem>>, vector<8x100000xf32>
    %swap3A = arith.constant 0 : index
    %swap3A_2 = arith.constant 0 : index
    %swap3A_3 = vector.load %arg2[%swap3A, %swap3A_2] : memref<8x100000xf32, #tpu.memory_space<vmem>>, vector<8x100000xf32>
    tpu.vector_store %arg2[%swap3A, %swap3A_2], %get3A_1 {strides = array<i32>} : memref<8x100000xf32, #tpu.memory_space<vmem>>, vector<8x100000xf32>,
    return
  }
  func.func @transform_0(%arg0: i32) -> (i32, i32) {
    %c0_i32 = arith.constant 0 : i32
    %c0_i32_0 = arith.constant 0 : i32
    return %arg0, %c0_i32 : i32, i32
  }
  func.func @transform_1(%arg0: i32) -> (i32, i32) {
    %c0_i32 = arith.constant 0 : i32
    %c0_i32_0 = arith.constant 0 : i32
    return %arg0, %c0_i32 : i32, i32
  }
}

</mosaic_0001>

<sc_bundles>
// kernel: _run.4.cloned.1.call-start
scs
__scs_entry_jumppad:
0x0: {  	(pc) =	sbr.rel $0x88, $3  }
0x1: {  	(tag) =	ssettag $0x0;
	lr =	simm.s32 $0x1  }
0x2: {  	[smem:$0x3FA0] =	sst lr;
	_ =	strace $0xD0000000  }
0x3: {  	_ = 	snop  }
0x4: {  	_ = 	snop  }
0x5: {  	_ = 	snop  }
0x6: {  	_ = 	snop  }
0x7: {  	_ = 	snop  }
__scs_overlays_trampoline_lowered:
0x8: {  	[smem:$0x3FAF] =	sst s0  }
0x9: {  	[smem:$0x3FB0] =	sst s1  }
0xa: {  	[smem:$0x3FB1] =	sst s2  }
0xb: {  	[smem:$0x3FB2] =	sst s3  }
0xc: {  	[smem:$0x3FB3] =	sst s4  }
0xd: {  	[smem:$0x3FB4] =	sst s5  }
0xe: {  	[smem:$0x3FB5] =	sst s6  }
0xf: {  	[smem:$0x3FB6] =	sst s7  }
0x10: {  	[smem:$0x3FB7] =	sst s8  }
0x11: {  	[smem:$0x3FB8] =	sst s9;
	s0 =	simm.s32 @!p0 $0x0  }
0x12: {  	s1 =	sld [smem:$0x3F9E];
	s0 =	simm.s32 @p0 $0x1  }
0x13: {  	[smem:$0x3FB9] =	sst s0;
	s0 =	simm.s32 @!p1 $0x0  }
0x14: {  	s2 =	sld [smem:$0x3F9D];
	s0 =	simm.s32 @p1 $0x1  }
0x15: {  	[smem:$0x3FBA] =	sst s0;
	s0 =	simm.s32 @!p2 $0x0  }
0x16: {  	s3 =	sld [smem:$0x3FDB];
	s0 =	simm.s32 @p2 $0x1  }
0x17: {  	s4 =	simm.s32 $0x1BF5;
	[smem:$0x3FBC] =	sst s0  }
0x18: {  	s0 =	sld [smem:$0x3F9F];
	_ =	swait.ge [sflag:s4], $0x0  }
0x19: {  	s7 =	sld [smem:$0x3FA0]  }
0x1a: {  	s8 =	sadd.s32 $0xFFFFE003, lr  }
0x1b: {  	s9 =	sadd.s32 $0xFFFFFEF7, lr;
	s5 =	simm.s32 $0xFFFFFFFF;
	p2 =	slt.u32 s8, $0xFFFFF086  }
0x1c: {  	p1 =	slt.u32 s9, $0xF7A;
	s5 =	simm.s32 @!p2 $0x0  }
0x1d: {  	s5 =	simm.s32 @p1 $0x1;
	p0 =	seq.s32 s7, s2  }
0x1e: {  	s7 =	smul.u32 @!p0 $0xF7A, s2;
	p2 =	seq.s32 @!p0 s5, $0x0  }
0x1f: {  	s9 =	smul.u32 $0xF7A, s1;
	s8 =	simm.s32 @!p0 $0x1BF5;
	p2 =	por !p2, p0  }
0x20: {  	[sflag:s8] =	ssyncset.s32 @!p0 $0xFFFFF086;
	s6 =	sadd.s32 @!p0 s3, s7;
	s7 =	simm.s32 @!p0 $0x108  }
0x21: {  	s3 =	sadd.s32 s3, s9;
	s6 =	sadd.s32 @!p0 $0x88, s6;
	s7 =	simm.s32 @p2 $0x1082  }
0x22: {  	[simem:s7], [sflag:s8] =	dma.local @!p0 [hbm:s6], $0xF7A  }
0x23: {  	s9 =	sor.u32 $0xD0000000, s2;
	s6 =	simm.s32 $0x108;
	_ =	swait.ge @!p0 [sflag:s8], $0x0  }
0x24: {  	s3 =	sadd.s32 $0x88, s3;
	s6 =	simm.s32 @!p1 $0x1082;
	[sflag:s4] =	ssyncset.s32 $0xFFFFF086  }
0x25: {  	[simem:s6], [sflag:s4] =	dma.local [hbm:s3], $0xF7A  }
0x26: {  	[smem:$0x3FA0] =	sst s1;
	(tag) =	ssettag s2;
	_ =	strace s9  }
0x27: {  	s1 =	sld [smem:$0x3FB0]  }
0x28: {  	s2 =	sld [smem:$0x3FB1]  }
0x29: {  	s4 =	sld [smem:$0x3FB3]  }
0x2a: {  	p0 =	seq.s32 s5, $0x0;
	s5 =	sld [smem:$0x3FB4]  }
0x2b: {  	s6 =	sld [smem:$0x3FB5]  }
0x2c: {  	s7 =	sld [smem:$0x3FB6]  }
0x2d: {  	s3 =	simm.s32 $0x108;
	s8 =	sld [smem:$0x3FB7]  }
0x2e: {  	s3 =	simm.s32 @!p0 $0x1082;
	s9 =	sld [smem:$0x3FB8]  }
0x2f: {  	lr =	sadd.s32 s0, s3;
	s0 =	sld [smem:$0x3FAF]  }
0x30: {  	s3 =	sld [smem:$0x3FB2]  }
0x31: {  	[smem:$0x3FBB] =	sst s10  }
0x32: {  	s10 =	sld [smem:$0x3FB9];
	_ =	sdelay $0x3  }
0x33: {  	p0 =	seq.s32 s10, $0x1;
	s10 =	sld [smem:$0x3FBB];
	_ =	sdelay $0x3  }
0x34: {  	[smem:$0x3FBB] =	sst s10  }
0x35: {  	s10 =	sld [smem:$0x3FBA];
	_ =	sdelay $0x3  }
0x36: {  	p1 =	seq.s32 s10, $0x1;
	s10 =	sld [smem:$0x3FBB];
	_ =	sdelay $0x3  }
0x37: {  	[smem:$0x3FBB] =	sst s10  }
0x38: {  	s10 =	sld [smem:$0x3FBC]  }
0x39: {  	_ = 	snop;
	(pc) =	sbr.ind lr, $3  }
0x3a: {  	_ = 	snop  }
0x3b: {  	_ = 	snop  }
0x3c: {  	p2 =	seq.s32 s10, $0x1;
	s10 =	sld [smem:$0x3FBB]  }
0x3d: {  	_ =	shalt  }
0x3e: {  	_ =	shalt  }
0x3f: {  	_ =	shalt  }
0x40: {  	_ =	shalt  }
0x41: {  	_ =	shalt  }
0x42: {  	_ =	shalt  }
0x43: {  	_ =	shalt  }
0x44: {  	_ =	shalt  }
0x45: {  	_ =	shalt  }
0x46: {  	_ =	shalt  }
0x47: {  	_ =	shalt  }
0x48: {  	_ =	shalt  }
0x49: {  	_ =	shalt  }
0x4a: {  	_ =	shalt  }
0x4b: {  	_ =	shalt  }
0x4c: {  	_ =	shalt  }
0x4d: {  	_ =	shalt  }
0x4e: {  	_ =	shalt  }
0x4f: {  	_ =	shalt  }
0x50: {  	_ =	shalt  }
0x51: {  	_ =	shalt  }
0x52: {  	_ =	shalt  }
0x53: {  	_ =	shalt  }
0x54: {  	_ =	shalt  }
0x55: {  	_ =	shalt  }
0x56: {  	_ =	shalt  }
0x57: {  	_ =	shalt  }
0x58: {  	_ =	shalt  }
0x59: {  	_ =	shalt  }
0x5a: {  	_ =	shalt  }
0x5b: {  	_ =	shalt  }
0x5c: {  	_ =	shalt  }
0x5d: {  	_ =	shalt  }
0x5e: {  	_ =	shalt  }
0x5f: {  	_ =	shalt  }
0x60: {  	_ =	shalt  }
0x61: {  	_ =	shalt  }
0x62: {  	_ =	shalt  }
0x63: {  	_ =	shalt  }
0x64: {  	_ =	shalt  }
0x65: {  	_ =	shalt  }
0x66: {  	_ =	shalt  }
0x67: {  	_ =	shalt  }
0x68: {  	_ =	shalt  }
0x69: {  	_ =	shalt  }
0x6a: {  	_ =	shalt  }
0x6b: {  	_ =	shalt  }
0x6c: {  	_ =	shalt  }
0x6d: {  	_ =	shalt  }
0x6e: {  	_ =	shalt  }
0x6f: {  	_ =	shalt  }
0x70: {  	_ =	shalt  }
0x71: {  	_ =	shalt  }
0x72: {  	_ =	shalt  }
0x73: {  	_ =	shalt  }
0x74: {  	_ =	shalt  }
0x75: {  	_ =	shalt  }
0x76: {  	_ =	shalt  }
0x77: {  	_ =	shalt  }
0x78: {  	_ =	shalt  }
0x79: {  	_ =	shalt  }
0x7a: {  	_ =	shalt  }
0x7b: {  	_ =	shalt  }
0x7c: {  	_ =	shalt  }
0x7d: {  	_ =	shalt  }
0x7e: {  	_ =	shalt  }
0x7f: {  	_ =	shalt  }
0x80: {  	_ =	shalt  }
0x81: {  	_ =	shalt  }
0x82: {  	_ =	shalt  }
0x83: {  	_ =	shalt  }
0x84: {  	_ =	shalt  }
0x85: {  	_ =	shalt  }
0x86: {  	_ =	shalt  }
0x87: {  	_ =	shalt  }
.Lfunc_end0:
.L_simem_size_0:
called_computation_lowered:
.L_overlay_start_0:
0x88: {  	s2 =	sld [smem:$0x3FD9]  }
0x89: {  	s3 =	sld [smem:$0x3FFE];
	_ =	sdelay $0x1  }
0x8a: {  	s1 =	srdreg.scid  }
0x8b: {  	s0 =	sand.u32 $0x1, s1  }
0x8c: {  	s16 =	sshll.u32 s0, $0xA;
	s2 =	sadd.s32 s3, s2  }
0x8d: {  	s2 =	sadd.s32 s2, s16  }
0x8e: {  	[smem:$0x3FC7] =	sst s2  }
0x8f: {  	_ = 	snop  }
0x90: {  	(tm) =	ssettm $0x1  }
0x91: {  	s17 =	sld [smem:$0x3FFB];
	_ =	sdelay $0x3  }
0x92: {  	_ =	strace s17  }
0x93: {  	s2 =	sld [smem:$0x3FFC];
	_ =	sdelay $0x3  }
0x94: {  	_ =	strace s2  }
0x95: {  	s2 =	sld [smem:$0x3FFD];
	_ =	sdelay $0x3  }
0x96: {  	_ =	strace s2  }
0x97: {  	_ =	strace $0x8FFFFFFF  }
0x98: {  	s18 =	sld [smem:$0x3FDB];
	_ =	sdelay $0x1  }
0x99: {  	s19 =	simm.s32 $_scs_section_size  }
0x9a: {  	s4 =	simm.s32 $_size__tile_overlayer_lowered;
	s5 =	simm.s32 $_tile_overlayer_lowered  }
0x9b: {  	s22 =	simm.s32 $0x1BFF;
	s21 =	sshll.u32 s5, $0x1;
	s2 =	sadd.s32 s19, s18  }
0x9c: {  	s6 =	simm.s32 $0x0;
	s20 =	sshll.u32 s4, $0x1;
	s4 =	sadd.s32 s21, s2  }
0x9d: {  	[timem:s6], [sflag:s22] =	dma.local [hbm:s4], s20  }
0x9e: {  	_ =	swait.ge [sflag:s22], s20  }
0x9f: {  	s3 =	ssub.s32 $0x0, s20;
	[sflag:s22] =	ssyncset.done $0x0  }
0xa0: {  	[sflag:s22] =	ssyncadd.s32 s3;
	_ =	sdelay $0x1  }
0xa1: {  	s23 =	simm.s32 $0x1B8B  }
0xa2: {  	_ =	swait.ge [sflag:s23], $0x1  }
0xa3: {  	[sflag:s23] =	ssyncset.done $0x0  }
0xa4: {  	s25 =	simm.s32 $0x1B8E;
	s24 =	sld [smem:$0x3FFE];
	[sflag:s23] =	ssyncadd.s32 $0xFFFFFFFF  }
0xa5: {  	s26 =	simm.s32 $execute0_lowered;
	[smem:$0x3FD2] =	sst s25  }
0xa6: {  	s4 =	sshll.u32 s26, $0x1;
	_ =	strace $0x80000046;
	[dreg:$0x1] =	wrdreg $0xFFFFFFFF  }
0xa7: {  	s28 =	simm.s32 $_size_execute0_lowered;
	s2 =	sadd.s32 s2, s4;
	[dreg:$0x0] =	wrdreg $0x0  }
0xa8: {  	s4 =	sshll.u32 s28, $0x1;
	[dreg:$0x2] =	wrdreg s2  }
0xa9: {  	[dreg:$0x3] =	wrdreg s4  }
0xaa: {  	[dreg:$0x4] =	wrdreg $0xC0  }
0xab: {  	_ =	task [dreg:s6], $0x5FFFF  }
0xac: {  	[dreg:$0x1] =	wrdreg $0xFFFFFFFF  }
0xad: {  	[dreg:$0x0] =	wrdreg $0x60  }
0xae: {  	[dreg:$0x2] =	wrdreg s24  }
0xaf: {  	[dreg:$0x3] =	wrdreg $0x9  }
0xb0: {  	_ =	task.clear_ibuf [dreg:s6], $0x4FFFF;
	_ =	strace $0x90000046  }
0xb1: {  	s29 =	simm.s32 $0x9;
	_ =	strace $0x80000048  }
0xb2: {  	_ =	swait.ge [sflag:s29], $0x1  }
0xb3: {  	[sflag:s29] =	ssyncadd.s32 $0xFFFFFFFF  }
0xb4: {  	_ =	strace $0x90000048  }
0xb5: {  	_ =	sfence  }
0xb6: {  	s30 =	sld [smem:$0x0];
	_ =	sdelay $0x2  }
0xb7: {  	s31 =	sshll.u32 s1, $0xD;
	s1 =	sshrl.u32 s1, $0x2  }
0xb8: {  	s3 =	sand.u32 $0x4000, s31;
	s1 =	sadd.s32 s1, s30  }
0xb9: {  	s0 =	sor.u32 s3, s0;
	s1 =	sshll.u32 s1, $0x11  }
0xba: {  	s0 =	sor.u32 s1, s0  }
0xbb: {  	s0 =	sadd.s32 $0x8F2B, s0  }
0xbc: {  	[sflag:s0] =	ssyncadd.remote.s32 $0x1  }
0xbd: {  	_ =	sfence.sel $0xFFFF  }
0xbe: {  	[dreg:$0x0] =	wrdreg $0xFFFFFFFF;
	(pc) =	sbr.abs _section_cstart, $3  }
0xbf: {  	[dreg:$0x1] =	wrdreg $0xFFFFFFFF  }
0xc0: {  	_ =	task.clear_ibuf [dreg:s6], $0x2FFFF;
	_ =	strace $0x9FFFFFFF  }
0xc1: {  	(tm) =	ssettm $0x7FFFFFFF  }
tec
execute0_lowered:
.L_overlay_start_1:
0x0: {  	(tag) =	ssettag $0x1  }
0x1: {  	s1 =	srdreg.scid  }
0x2: {  	s0 =	stileid.u32;
	s6 =	rddreg [dreg:$0x0];
	s3 =	simm.s32 $0x0  }
0x3: {  	s12 =	simm.s32 $0x5;
	s13 =	simm.s32 $0x6;
	s14 =	simm.s32 $0x7  }
0x4: {  	s15 =	simm.s32 $0x8;
	s16 =	simm.s32 $0x10000;
	s5 =	sand.u32 $0x1, s1  }
0x5: {  	s17 =	simm.s32 $0x9;
	s29 =	sshll.u32 s0, $0x2;
	s2 =	sshll.u32 s5, $0x1  }
0x6: {  	s18 =	simm.s32 $0x0;
	s1 =	rddreg [dreg:$0x1];
	s2 =	sor.u32 s2, s29  }
0x7: {  	[smem:$0x7FF] =	sst s3;
	s4 =	sor.u32 $0x40, s2;
	s9 =	smul.u32 $0xC3800, s2  }
0x8: {  	_ =	strace $0x80000047;
	s8 =	ssub.s32 $0x2, s5;
	s7 =	smul.u32 $0xC3800, s4  }
.Ltmp0:
0x9: {  	s5 =	sadd.s32 $0x400, s6;
	s10 =	sshrl.u32 s8, $0x1;
	(pc) =	sbr.rel .LBB2_1-.Ltmp0, $4  }
0xa: {  	s6 =	sadd.s32 $0xC38400, s6;
	s11 =	ssub.s32 s8, s10;
	s30 =	sshrl.u32 s9, $0x3  }
0xb: {  	s11 =	smax.u32 s11, $0x1;
	s7 =	sshrl.u32 s7, $0x3;
	s31 =	sadd.s32 s6, s30  }
0xc: {  	s9 =	sadd.s32 s5, s30;
	s7 =	sadd.s32 s5, s7;
	s8 =	sadd.s32 $0x18000, s31  }
0xd: {  	s9 =	sadd.s32 $0x64C700, s9;
	s10 =	sadd.s32 $0x30700, s31;
	s7 =	sadd.s32 $0x18000, s7  }
.LBB2_5:
0xe: {  	_ =	swait.ge [sflag:s12], $0x4000  }
0xf: {  	[sflag:s12] =	ssyncset.done $0x0  }
0x10: {  	[sflag:s12] =	ssyncadd.s32 $0xFFFFC000  }
0x11: {  	_ =	swait.ge [sflag:s13], $0x4000  }
0x12: {  	[sflag:s13] =	ssyncset.done $0x0  }
0x13: {  	[sflag:s13] =	ssyncadd.s32 $0xFFFFC000  }
0x14: {  	_ =	swait.ge [sflag:s14], $0x4000  }
0x15: {  	[sflag:s14] =	ssyncset.done $0x0  }
0x16: {  	[sflag:s14] =	ssyncadd.s32 $0xFFFFC000  }
0x17: {  	_ =	swait.ge [sflag:s15], $0x4000  }
0x18: {  	[sflag:s15] =	ssyncset.done $0x0  }
0x19: {  	[sflag:s15] =	ssyncadd.s32 $0xFFFFC000  }
0x1a: {  	[tilespmem:s16], [sflag:$0x9] =	stream.linear.gather [hbm4b:s7+s3], $0x3800, $0x38;
	[tilespmem:$0x13800] =	vst v63  }
0x1b: {  	_ =	swait.ge [sflag:s17], $0x3800  }
0x1c: {  	[sflag:s17] =	ssyncset.done $0x0  }
0x1d: {  	[sflag:s17] =	ssyncadd.s32 $0xFFFFC800  }
0x1e: {  	[hbm4b:s8+s3] =	stream.linear.scatter [tilespmem:s16], [sflag:$0x9], $0x3800, $0x38;
	[tilespmem:$0x13800] =	vst v63  }
0x1f: {  	_ =	swait.ge [sflag:s17], $0x3800  }
0x20: {  	[sflag:s17] =	ssyncset.done $0x0  }
0x21: {  	[sflag:s17] =	ssyncadd.s32 $0xFFFFC800  }
0x22: {  	[tilespmem:s16], [sflag:$0x9] =	stream.linear.gather [hbm4b:s9+s3], $0x3800, $0x38;
	[tilespmem:$0x13800] =	vst v63  }
0x23: {  	s18 =	sadd.s32 $0x1, s18;
	_ =	swait.ge [sflag:s17], $0x3800  }
0x24: {  	p0 =	sne.s32 s18, s11;
	[sflag:s17] =	ssyncset.done $0x0  }
.Ltmp1:
0x25: {  	[sflag:s17] =	ssyncadd.s32 $0xFFFFC800;
	(pc) =	sbr.rel @!p0 .LBB2_6-.Ltmp1, $4  }
0x26: {  	[hbm4b:s10+s3] =	stream.linear.scatter [tilespmem:s16], [sflag:$0x9], $0x3800, $0x38;
	[tilespmem:$0x13800] =	vst v63  }
0x27: {  	_ =	swait.ge [sflag:s17], $0x3800  }
0x28: {  	[sflag:s17] =	ssyncset.done $0x0  }
0x29: {  	[sflag:s17] =	ssyncadd.s32 $0xFFFFC800  }
.LBB2_1:
.Ltmp2:
0x2a: {  	(pc) =	sbr.rel .LBB2_2-.Ltmp2, $2  }
0x2b: {  	_ =	sdelay $0x2  }
0x2c: {  	s19 =	simm.s32 $0xFFFFFFFE;
	s20 =	simm.s32 $0x0  }
.LBB2_4:
0x2d: {  	s19 =	sadd.s32 $0x1, s19  }
0x2e: {  	p0 =	sne.s32 s19, $0x60  }
.Ltmp3:
0x2f: {  	_ = 	snop;
	(pc) =	sbr.rel @!p0 .LBB2_5-.Ltmp3, $2  }
0x30: {  	_ =	sdelay $0x2  }
0x31: {  	s20 =	sadd.s32 $0x4000, s20  }
.LBB2_2:
0x32: {  	s21 =	sadd.s32 $0x2, s19  }
0x33: {  	p0 =	sgt.u32 s21, $0x5F  }
0x34: {  	s25 =	smov.u32 s20;
	p1 =	sgt.u32 @!p0 s21, $0x2F;
	p2 =	slt.u32 @!p0 s21, $0x4  }
0x35: {  	s22 =	simm.s32 @!p0 $0x1;
	s23 =	sand.u32 @!p0 $0x3, s21;
	p1 =	por !p1, p0  }
0x36: {  	p2 =	por p2, p0;
	s22 =	simm.s32 @p1 $0x0;
	p1 =	slt.u32 @!p0 s21, $0x30  }
0x37: {  	s24 =	sadd.s32 @!p2 $0x5, s23;
	s22 =	sor.u32 @!p0 s22, s4;
	p1 =	por !p1, p0  }
0x38: {  	_ =	swait.ge @!p2 [sflag:s24], $0x4000;
	s21 =	smul.u32 @!p0 $0xC3800, s22;
	s22 =	sadd.s32 @!p0 $0xFFF40000, s20  }
0x39: {  	[sflag:s24] =	ssyncset.done @!p2 $0x0;
	s25 =	smov.u32 @p1 s22  }
0x3a: {  	[sflag:s24] =	ssyncadd.s32 @!p2 $0xFFFFC000;
	s21 =	sadd.s32 @!p0 s25, s21  }
0x3b: {  	s22 =	sshll.u32 @!p0 s23, $0xE;
	s23 =	sadd.s32 @!p0 $0x1, s23;
	s21 =	sshrl.u32 @!p0 s21, $0x3  }
0x3c: {  	s24 =	simm.s32 @!p0 $0x0;
	p1 =	sgt.u32 @!p0 s19, $0x5F;
	s21 =	sadd.s32 @!p0 s5, s21  }
0x3d: {  	[tilespmem:s22], [sflag:s23] =	stream.linear.gather @!p0 [hbm4b:s21+s24], $0x4000, $0x38;
	[tilespmem:$0x13800] =	vst v63  }
0x3e: {  	p0 =	por p0, !p1  }
.Ltmp4:
0x3f: {  	_ = 	snop;
	(pc) =	sbr.rel @!p0 .LBB2_4-.Ltmp4, $1  }
0x40: {  	_ =	sdelay $0x3  }
0x41: {  	p0 =	sgt.u32 s19, $0x2F;
	s21 =	simm.s32 $0x1  }
0x42: {  	s21 =	simm.s32 @!p0 $0x0  }
0x43: {  	s22 =	sand.u32 $0x3, s19;
	s24 =	sshll.u32 s19, $0xE;
	s21 =	sor.u32 s21, s2  }
0x44: {  	p0 =	slt.u32 s19, $0x30;
	s25 =	sadd.s32 $0xFFF40000, s24;
	s21 =	smul.u32 $0xC3800, s21  }
.Ltmp5:
0x45: {  	s23 =	sadd.s32 $0x1, s22;
	s25 =	smov.u32 @p0 s24;
	(pc) =	sbr.rel .LBB2_4-.Ltmp5, $4  }
0x46: {  	_ =	swait.ge [sflag:s23], $0x4000;
	s21 =	sadd.s32 s25, s21  }
0x47: {  	s31 =	sadd.s32 $0x5, s22;
	[sflag:s23] =	ssyncset.done $0x0;
	s21 =	sshrl.u32 s21, $0x3  }
0x48: {  	s22 =	sshll.u32 s22, $0xE;
	[sflag:s23] =	ssyncadd.s32 $0xFFFFC000;
	s21 =	sadd.s32 s6, s21  }
0x49: {  	[hbm4b:s21+s3] =	stream.linear.scatter [tilespmem:s22], [sflag:s31], $0x4000, $0x38;
	[tilespmem:$0x13800] =	vst v63  }
.LBB2_6:
0x4a: {  	_ =	sfence.sel $0x180000  }
0x4b: {  	[bflag:$0x0] =	sbarrier.arrive $0xFFFF  }
0x4c: {  	p0 =	sne.s32 s0, $0x0;
	_ =	strace $0x90000047  }
0x4d: {  	s0 =	sadd.s32 @!p0 $0x100000, s1;
	[bflag:$0x2] =	sbarrier.arrive $0xFFFF  }
0x4e: {  	[sflag:s0] =	ssyncadd.tile.s32 @!p0 $0x1;
	_ =	shalt  }
.Lfunc_end2:
_tile_overlayer_lowered:
.L_overlay_start_2:
0x4f: {  	(tag) =	ssettag $0x2  }
0x50: {  	s0 =	rddreg [dreg:$0x0];
	s2 =	stileid.u32  }
0x51: {  	s1 =	rddreg [dreg:$0x1];
	p0 =	sne.s32 s2, $0x0  }
0x52: {  	s3 =	rddreg [dreg:$0x2];
	[bflag:$0x3] =	sbarrier.arrive $0xFFFF;
	s2 =	simm.s32 @!p0 $0x1C0A  }
0x53: {  	[timem:s3], [sflag:s2] =	dma.local @!p0 [hbm:s0], s1  }
0x54: {  	s0 =	simm.s32 @!p0 $0xA  }
0x55: {  	_ =	swait.ge @!p0 [sflag:s0], s1  }
0x56: {  	s1 =	ssub.s32 @!p0 $0x0, s1;
	[sflag:s0] =	ssyncset.done @!p0 $0x0  }
0x57: {  	[sflag:s0] =	ssyncadd.s32 @!p0 s1  }
0x58: {  	[bflag:$0x3] =	sbarrier.arrive $0xFFFF  }
0x59: {  	_ =	shalt  }

</sc_bundles>
